<compile_context>
chip_gen: v7x
topology: tpu7x:2x2x1
jax: 0.10.2.dev20260603
libtpu: 0.0.44.dev20260713+nightly
codegen_flags: <defaults>
</compile_context>

<pallas_src>
import functools

import jax
import jax.numpy as jnp
from jax import lax
from jax.experimental import pallas as pl
from jax.experimental.pallas import tpu as pltpu
from jax.experimental.pallas import tpu_sc as plsc

B, H, W, C = 2, 256, 256, 96
OUT_FLAT = B * H * 2 * W * 2 * C
N = B * H * W * C

NC, NS, L = 2, 16, 16


def _unpool_kernel(upd_hbm, idx_hbm, out_hbm,
                   acc, ibuf, vbuf, cidx, cval, zbuf, cnt_ref,
                   *, rsize, num_passes, share, chunk, flush, zbw):
  nchunk = share // chunk
  vpc = chunk // L
  acc_slice = rsize // NS
  hiwat = flush - 4 * L

  cid = lax.axis_index("c")
  sid = lax.axis_index("s")
  pair_base = sid * (NC * share)

  zeros = jnp.zeros((L,), jnp.float32)
  izeros = jnp.zeros((L,), jnp.int32)

  def zf(i, _):
    zbuf[pl.ds(i * L, L)] = zeros
    return ()
  lax.fori_loop(0, zbw // L, zf, ())
  def zc(i, _):
    cidx[pl.ds(i * L, L)] = izeros
    cval[pl.ds(i * L, L)] = zeros
    return ()
  lax.fori_loop(0, flush // L, zc, ())

  lane15 = jnp.full((L,), L - 1, jnp.int32)

  def do_flush():
    pltpu.sync_copy(cval, acc.at[cidx], add=True)
    def zv(i, _):
      cval[pl.ds(i * L, L)] = zeros
      return ()
    lax.fori_loop(0, flush // L, zv, ())

  def one_pass(p, _):
    base = (p * NC + cid) * rsize

    def za(z, _):
      zoff = pl.multiple_of(sid * acc_slice + z * zbw, zbw)
      pltpu.sync_copy(zbuf, acc.at[pl.ds(zoff, zbw)])
      return ()
    lax.fori_loop(0, acc_slice // zbw, za, ())
    plsc.subcore_barrier()

    def one_chunk(k, cnt_v):
      off = pl.multiple_of(pair_base + k * chunk, chunk)
      pltpu.sync_copy(idx_hbm.at[pl.ds(off, chunk)], ibuf)
      pltpu.sync_copy(upd_hbm.at[pl.ds(off, chunk)], vbuf)

      def quad(q, cnt_v):
        j0 = q * 4
        lanes = []
        for u in range(4):
          iv = ibuf[pl.ds((j0 + u) * L, L)]
          vv = vbuf[pl.ds((j0 + u) * L, L)]
          local = iv - base
          m = (local >= 0) & (local < rsize)
          mi = jnp.where(m, 1, 0)
          cs = plsc.cumsum(mi)
          lanes.append((local, vv, m, mi, cs))
        off = cnt_v
        for local, vv, m, mi, cs in lanes:
          dest = (cs - mi) + off
          plsc.store_scatter(cidx, [dest], local, mask=m)
          plsc.store_scatter(cval, [dest], vv, mask=m)
          off = off + cs[lane15]
        cnt_v = off

        def flushed():
          do_flush()
          return jnp.zeros((L,), jnp.int32)
        return lax.cond(jnp.any(cnt_v >= hiwat), flushed, lambda: cnt_v)

      return lax.fori_loop(0, vpc // 4, quad, cnt_v)

    cnt_v = lax.fori_loop(0, NC * nchunk, one_chunk, jnp.zeros((L,), jnp.int32))
    del cnt_v
    do_flush()
    plsc.subcore_barrier()

    soff = pl.multiple_of(sid * acc_slice, acc_slice)
    doff = pl.multiple_of(base + sid * acc_slice, acc_slice)
    pltpu.sync_copy(acc.at[pl.ds(soff, acc_slice)],
                    out_hbm.at[pl.ds(doff, acc_slice)])
    plsc.subcore_barrier()
    return ()

  lax.fori_loop(0, num_passes, one_pass, ())


def _make_unpool(out_flat, n_pairs, rsize, chunk, flush, zbw,
                 interpret=False):
  num_passes = out_flat // rsize // NC
  assert out_flat == rsize * NC * num_passes
  assert rsize % (NS * zbw) == 0 and rsize % NS == 0
  assert n_pairs % (NC * NS * chunk) == 0
  share = n_pairs // (NC * NS)
  body = functools.partial(
      _unpool_kernel, rsize=rsize, num_passes=num_passes,
      share=share, chunk=chunk, flush=flush, zbw=zbw)
  mesh = plsc.VectorSubcoreMesh(core_axis_name="c", subcore_axis_name="s",
                                num_cores=NC, num_subcores=NS)
  f = pl.kernel(
      body,
      out_type=jax.ShapeDtypeStruct((out_flat,), jnp.float32),
      mesh=mesh,
      interpret=interpret,
      compiler_params=pltpu.CompilerParams(needs_layout_passes=False),
      scratch_types=[
          pltpu.VMEM_SHARED((rsize,), jnp.float32),
          pltpu.VMEM((chunk,), jnp.int32),
          pltpu.VMEM((chunk,), jnp.float32),
          pltpu.VMEM((flush,), jnp.int32),
          pltpu.VMEM((flush,), jnp.float32),
          pltpu.VMEM((zbw,), jnp.float32),
          pltpu.SMEM((1,), jnp.int32),
      ],
  )
  return f


@jax.jit
def _unpool(upd, idx):
  f = _make_unpool(OUT_FLAT, N, rsize=OUT_FLAT // 32, chunk=8192, flush=128,
                   zbw=8192)
  return f(upd, idx)


def kernel(updates, mask):
  idx = mask.astype(jnp.int32).reshape(-1)
  upd = updates.astype(jnp.float32).reshape(-1)
  out = _unpool(upd, idx)
  return out.reshape(-1, H * 2, W * 2, C)

# --- scband reference (transcript-rebuilt; emitter-appended) ---
"""Pipeline reference for scband-max-unpooling2-d-cs-30674656428421 (READ-ONLY COPY).

The authoritative reference and input builder live on the scoring server;
editing this copy changes nothing except your own understanding.
"""

import jax, jax.numpy as jnp
import numpy as np

B, H, W, C = 2, 256, 256, 96
SIZE = (2, 2)
OUT_FLAT = B * H * SIZE[0] * W * SIZE[1] * C

def setup_inputs(seed: int = 0) -> dict:
    key = jax.random.key(seed)
    k1, k2 = jax.random.split(key)
    updates = jax.random.normal(k1, (B, H, W, C), dtype=jnp.float32)
    mask = jax.random.randint(k2, (B, H, W, C), 0, OUT_FLAT, dtype=jnp.int64)
    return {"updates": updates, "mask": mask}

def reference(updates, mask):
    # Faithful translation of MaxUnpooling2D_cs.call:
    # scatter_nd of flattened updates into a flat buffer of size prod(output_shape),
    # then reshape to [-1, H*2, W*2, C]. tf.scatter_nd accumulates duplicates -> .at[].add
    mask = mask.astype(jnp.int32)
    flat_idx = mask.reshape(-1)
    flat_upd = updates.reshape(-1)
    ret = jnp.zeros((OUT_FLAT,), dtype=updates.dtype).at[flat_idx].add(flat_upd)
    out_shape = (-1, H * SIZE[0], W * SIZE[1], C)
    return ret.reshape(out_shape)

if __name__ == "__main__":
    import jax
    _d = setup_inputs()
    print(jax.jit(kernel)(*tuple(_d.values())))

</pallas_src>

<mosaic_0001>
#map = affine_map<(d0, d1) -> (0)>
module attributes {stable_mosaic.version = 14 : i64} {
  func.func @_unpool_kernel(%arg0: i32, %arg1: i32, %arg2: memref<12582912xf32, #tpu.memory_space<hbm>>, %arg3: memref<12582912xi32, #tpu.memory_space<hbm>>, %arg4: memref<50331648xf32, #tpu.memory_space<hbm>>, %arg5: memref<1572864xf32, #tpu.memory_space<vmem_shared>>, %arg6: memref<8192xi32, #tpu.memory_space<vmem>>, %arg7: memref<8192xf32, #tpu.memory_space<vmem>>, %arg8: memref<128xi32, #tpu.memory_space<vmem>>, %arg9: memref<128xf32, #tpu.memory_space<vmem>>, %arg10: memref<8192xf32, #tpu.memory_space<vmem>>, %arg11: memref<1xi32, #tpu.memory_space<smem>>) attributes {dimension_semantics = [#tpu.dimension_semantics<core_parallel>, #tpu.dimension_semantics<subcore_parallel>], iteration_bounds = array<i64: 2, 16>, scalar_prefetch = 0 : i64, scratch_operands = 7 : i64, tpu.core_type = #tpu.core_type<sc_vector_subcore>, window_params = [{transform_indices = #map}, {transform_indices = #map}, {transform_indices = #map}]} {
    %mul3A = arith.constant 786432 : i32
    %mul3A_0 = arith.muli %arg1, %mul3A : i32
    %broadcast_in_dim3A = arith.constant 0.000000e+00 : f32
    %broadcast_in_dim3A_1 = vector.broadcast %broadcast_in_dim3A : f32 to vector<16xf32>
    %broadcast_in_dim3A_2 = arith.constant 0 : i32
    %broadcast_in_dim3A_3 = vector.broadcast %broadcast_in_dim3A_2 : i32 to vector<16xi32>
    %scan3A = arith.constant 0 : i32
    %scan3A_4 = arith.constant 512 : i32
    %scan3A_5 = arith.addi %scan3A, %scan3A_4 : i32
    %scan3A_6 = arith.constant 1 : i32
    scf.for %scan3A_20 = %scan3A to %scan3A_5 step %scan3A_6  : i32 {
      %mul3A_21 = arith.constant 16 : i32
      %mul3A_22 = arith.muli %scan3A_20, %mul3A_21 : i32
      %swap3A = arith.index_cast %mul3A_22 : i32 to index
      %swap3A_23 = tpu.vector_load %arg10[%swap3A] {strides = array<i32>} : memref<8192xf32, #tpu.memory_space<vmem>>, vector<16xf32>,
      tpu.vector_store %arg10[%swap3A], %broadcast_in_dim3A_1 {strides = array<i32>} : memref<8192xf32, #tpu.memory_space<vmem>>, vector<16xf32>,
    }
    %scan3A_7 = arith.constant 512 : i32
    %scan3A_8 = arith.constant 0 : i32
    %scan3A_9 = arith.constant 8 : i32
    %scan3A_10 = arith.addi %scan3A_8, %scan3A_9 : i32
    %scan3A_11 = arith.constant 1 : i32
    scf.for %scan3A_20 = %scan3A_8 to %scan3A_10 step %scan3A_11  : i32 {
      %mul3A_21 = arith.constant 16 : i32
      %mul3A_22 = arith.muli %scan3A_20, %mul3A_21 : i32
      %swap3A = arith.index_cast %mul3A_22 : i32 to index
      %swap3A_23 = tpu.vector_load %arg8[%swap3A] {strides = array<i32>} : memref<128xi32, #tpu.memory_space<vmem>>, vector<16xi32>,
      tpu.vector_store %arg8[%swap3A], %broadcast_in_dim3A_3 {strides = array<i32>} : memref<128xi32, #tpu.memory_space<vmem>>, vector<16xi32>,
      %mul3A_24 = arith.constant 16 : i32
      %mul3A_25 = arith.muli %scan3A_20, %mul3A_24 : i32
      %swap3A_26 = arith.index_cast %mul3A_25 : i32 to index
      %swap3A_27 = tpu.vector_load %arg9[%swap3A_26] {strides = array<i32>} : memref<128xf32, #tpu.memory_space<vmem>>, vector<16xf32>,
      tpu.vector_store %arg9[%swap3A_26], %broadcast_in_dim3A_1 {strides = array<i32>} : memref<128xf32, #tpu.memory_space<vmem>>, vector<16xf32>,
    }
    %scan3A_12 = arith.constant 8 : i32
    %broadcast_in_dim3A_13 = arith.constant 15 : i32
    %broadcast_in_dim3A_14 = vector.broadcast %broadcast_in_dim3A_13 : i32 to vector<16xi32>
    %scan3A_15 = arith.constant 0 : i32
    %scan3A_16 = arith.constant 16 : i32
    %scan3A_17 = arith.addi %scan3A_15, %scan3A_16 : i32
    %scan3A_18 = arith.constant 1 : i32
    scf.for %scan3A_20 = %scan3A_15 to %scan3A_17 step %scan3A_18  : i32 {
      %mul3A_21 = arith.constant 2 : i32
      %mul3A_22 = arith.muli %scan3A_20, %mul3A_21 : i32
      %add3A = arith.addi %mul3A_22, %arg0 : i32
      %mul3A_23 = arith.constant 1572864 : i32
      %mul3A_24 = arith.muli %add3A, %mul3A_23 : i32
      %scan3A_25 = arith.constant 0 : i32
      %scan3A_26 = arith.constant 12 : i32
      %scan3A_27 = arith.addi %scan3A_25, %scan3A_26 : i32
      %scan3A_28 = arith.constant 1 : i32
      scf.for %scan3A_51 = %scan3A_25 to %scan3A_27 step %scan3A_28  : i32 {
        %mul3A_52 = arith.constant 98304 : i32
        %mul3A_53 = arith.muli %arg1, %mul3A_52 : i32
        %mul3A_54 = arith.constant 8192 : i32
        %mul3A_55 = arith.muli %scan3A_51, %mul3A_54 : i32
        %add3A_56 = arith.addi %mul3A_53, %mul3A_55 : i32
        %multiple_of3A_57 = tpu.assume_multiple %add3A_56, 8192 : i32
        "tpu.region"() ({
          %run_scoped3A = tpu.sem_alloc : memref<!tpu.dma_semaphore, #tpu.memory_space<semaphore_mem>>
          %dma_start3A = tpu.memref_slice %arg5[%multiple_of3A_57] : memref<1572864xf32, #tpu.memory_space<vmem_shared>> -> memref<8192xf32, #tpu.memory_space<vmem_shared>>
          %dma_start3A_58 = tpu.memref_slice %arg5[%multiple_of3A_57] : memref<1572864xf32, #tpu.memory_space<vmem_shared>> -> memref<8192xf32, #tpu.memory_space<vmem_shared>>
          tpu.enqueue_dma source(%arg10 : memref<8192xf32, #tpu.memory_space<vmem>>) target(%dma_start3A_58 : memref<8192xf32, #tpu.memory_space<vmem_shared>>) target_semaphore(%run_scoped3A : memref<!tpu.dma_semaphore, #tpu.memory_space<semaphore_mem>>)
          %dma_wait3A = tpu.memref_slice %arg5[%multiple_of3A_57] : memref<1572864xf32, #tpu.memory_space<vmem_shared>> -> memref<8192xf32, #tpu.memory_space<vmem_shared>>
          %dma_wait3A_59 = tpu.memref_slice %arg5[%multiple_of3A_57] : memref<1572864xf32, #tpu.memory_space<vmem_shared>> -> memref<8192xf32, #tpu.memory_space<vmem_shared>>
          tpu.wait_dma2 semaphore(%run_scoped3A : memref<!tpu.dma_semaphore, #tpu.memory_space<semaphore_mem>>) src(%arg10 : memref<8192xf32, #tpu.memory_space<vmem>>) dst(%dma_wait3A_59 : memref<8192xf32, #tpu.memory_space<vmem_shared>>)
          tpu.yield
        }) : () -> ()
      }
      %scan3A_29 = arith.constant 12 : i32
      %barrier3A = arith.constant 0 : index
      tpu.barrier barrier_id(%barrier3A)
      %broadcast_in_dim3A_30 = arith.constant 0 : i32
      %broadcast_in_dim3A_31 = vector.broadcast %broadcast_in_dim3A_30 : i32 to vector<16xi32>
      %scan3A_32 = arith.constant 0 : i32
      %scan3A_33 = arith.constant 96 : i32
      %scan3A_34 = arith.addi %scan3A_32, %scan3A_33 : i32
      %scan3A_35 = arith.constant 1 : i32
      %scan3A_36 = scf.for %scan3A_51 = %scan3A_32 to %scan3A_34 step %scan3A_35 iter_args(%scan3A_52 = %broadcast_in_dim3A_31) -> (vector<16xi32>)  : i32 {
        %mul3A_53 = arith.constant 8192 : i32
        %mul3A_54 = arith.muli %scan3A_51, %mul3A_53 : i32
        %add3A_55 = arith.addi %mul3A_0, %mul3A_54 : i32
        %multiple_of3A_56 = tpu.assume_multiple %add3A_55, 8192 : i32
        "tpu.region"() ({
          %run_scoped3A = tpu.sem_alloc : memref<!tpu.dma_semaphore, #tpu.memory_space<semaphore_mem>>
          %dma_start3A = tpu.memref_slice %arg3[%multiple_of3A_56] : memref<12582912xi32, #tpu.memory_space<hbm>> -> memref<8192xi32, #tpu.memory_space<hbm>>
          %dma_start3A_63 = tpu.memref_slice %arg3[%multiple_of3A_56] : memref<12582912xi32, #tpu.memory_space<hbm>> -> memref<8192xi32, #tpu.memory_space<hbm>>
          tpu.enqueue_dma source(%dma_start3A_63 : memref<8192xi32, #tpu.memory_space<hbm>>) target(%arg6 : memref<8192xi32, #tpu.memory_space<vmem>>) target_semaphore(%run_scoped3A : memref<!tpu.dma_semaphore, #tpu.memory_space<semaphore_mem>>)
          %dma_wait3A = tpu.memref_slice %arg3[%multiple_of3A_56] : memref<12582912xi32, #tpu.memory_space<hbm>> -> memref<8192xi32, #tpu.memory_space<hbm>>
          %dma_wait3A_64 = tpu.memref_slice %arg3[%multiple_of3A_56] : memref<12582912xi32, #tpu.memory_space<hbm>> -> memref<8192xi32, #tpu.memory_space<hbm>>
          tpu.wait_dma2 semaphore(%run_scoped3A : memref<!tpu.dma_semaphore, #tpu.memory_space<semaphore_mem>>) src(%dma_wait3A_64 : memref<8192xi32, #tpu.memory_space<hbm>>) dst(%arg6 : memref<8192xi32, #tpu.memory_space<vmem>>)
          tpu.yield
        }) : () -> ()
        "tpu.region"() ({
          %run_scoped3A = tpu.sem_alloc : memref<!tpu.dma_semaphore, #tpu.memory_space<semaphore_mem>>
          %dma_start3A = tpu.memref_slice %arg2[%multiple_of3A_56] : memref<12582912xf32, #tpu.memory_space<hbm>> -> memref<8192xf32, #tpu.memory_space<hbm>>
          %dma_start3A_63 = tpu.memref_slice %arg2[%multiple_of3A_56] : memref<12582912xf32, #tpu.memory_space<hbm>> -> memref<8192xf32, #tpu.memory_space<hbm>>
          tpu.enqueue_dma source(%dma_start3A_63 : memref<8192xf32, #tpu.memory_space<hbm>>) target(%arg7 : memref<8192xf32, #tpu.memory_space<vmem>>) target_semaphore(%run_scoped3A : memref<!tpu.dma_semaphore, #tpu.memory_space<semaphore_mem>>)
          %dma_wait3A = tpu.memref_slice %arg2[%multiple_of3A_56] : memref<12582912xf32, #tpu.memory_space<hbm>> -> memref<8192xf32, #tpu.memory_space<hbm>>
          %dma_wait3A_64 = tpu.memref_slice %arg2[%multiple_of3A_56] : memref<12582912xf32, #tpu.memory_space<hbm>> -> memref<8192xf32, #tpu.memory_space<hbm>>
          tpu.wait_dma2 semaphore(%run_scoped3A : memref<!tpu.dma_semaphore, #tpu.memory_space<semaphore_mem>>) src(%dma_wait3A_64 : memref<8192xf32, #tpu.memory_space<hbm>>) dst(%arg7 : memref<8192xf32, #tpu.memory_space<vmem>>)
          tpu.yield
        }) : () -> ()
        %scan3A_57 = arith.constant 0 : i32
        %scan3A_58 = arith.constant 128 : i32
        %scan3A_59 = arith.addi %scan3A_57, %scan3A_58 : i32
        %scan3A_60 = arith.constant 1 : i32
        %scan3A_61 = scf.for %scan3A_63 = %scan3A_57 to %scan3A_59 step %scan3A_60 iter_args(%scan3A_64 = %scan3A_52) -> (vector<16xi32>)  : i32 {
          %mul3A_65 = arith.constant 4 : i32
          %mul3A_66 = arith.muli %scan3A_63, %mul3A_65 : i32
          %add3A_67 = arith.constant 0 : i32
          %add3A_68 = arith.addi %mul3A_66, %add3A_67 : i32
          %mul3A_69 = arith.constant 16 : i32
          %mul3A_70 = arith.muli %add3A_68, %mul3A_69 : i32
          %get3A = arith.index_cast %mul3A_70 : i32 to index
          %get3A_71 = tpu.vector_load %arg6[%get3A] {strides = array<i32>} : memref<8192xi32, #tpu.memory_space<vmem>>, vector<16xi32>,
          %add3A_72 = arith.constant 0 : i32
          %add3A_73 = arith.addi %mul3A_66, %add3A_72 : i32
          %mul3A_74 = arith.constant 16 : i32
          %mul3A_75 = arith.muli %add3A_73, %mul3A_74 : i32
          %get3A_76 = arith.index_cast %mul3A_75 : i32 to index
          %get3A_77 = tpu.vector_load %arg7[%get3A_76] {strides = array<i32>} : memref<8192xf32, #tpu.memory_space<vmem>>, vector<16xf32>,
          %sub3A = vector.broadcast %mul3A_24 : i32 to vector<16xi32>
          %sub3A_78 = arith.subi %get3A_71, %sub3A : vector<16xi32>
          %ge3A = arith.constant 0 : i32
          %ge3A_79 = vector.broadcast %ge3A : i32 to vector<16xi32>
          %ge3A_80 = arith.cmpi sge, %sub3A_78, %ge3A_79 : vector<16xi32>
          %lt3A = arith.constant 1572864 : i32
          %lt3A_81 = vector.broadcast %lt3A : i32 to vector<16xi32>
          %lt3A_82 = arith.cmpi slt, %sub3A_78, %lt3A_81 : vector<16xi32>
          %and3A = arith.andi %ge3A_80, %lt3A_82 : vector<16xi1>
          %jit3A = arith.constant 1 : i32
          %jit3A_83 = arith.constant 0 : i32
          %broadcast_in_dim3A_84 = vector.broadcast %jit3A : i32 to vector<16xi32>
          %broadcast_in_dim3A_85 = vector.broadcast %jit3A_83 : i32 to vector<16xi32>
          %select_n3A = arith.select %and3A, %broadcast_in_dim3A_84, %broadcast_in_dim3A_85 : vector<16xi1>, vector<16xi32>
          %broadcast_in_dim3A_86 = arith.constant true
          %broadcast_in_dim3A_87 = vector.broadcast %broadcast_in_dim3A_86 : i1 to vector<16xi1>
          %masked_cumsum3A = tpu.scan <sum>, %select_n3A masked %broadcast_in_dim3A_87 : vector<16xi32>, vector<16xi1> -> vector<16xi32>
          %add3A_88 = arith.constant 1 : i32
          %add3A_89 = arith.addi %mul3A_66, %add3A_88 : i32
          %mul3A_90 = arith.constant 16 : i32
          %mul3A_91 = arith.muli %add3A_89, %mul3A_90 : i32
          %get3A_92 = arith.index_cast %mul3A_91 : i32 to index
          %get3A_93 = tpu.vector_load %arg6[%get3A_92] {strides = array<i32>} : memref<8192xi32, #tpu.memory_space<vmem>>, vector<16xi32>,
          %add3A_94 = arith.constant 1 : i32
          %add3A_95 = arith.addi %mul3A_66, %add3A_94 : i32
          %mul3A_96 = arith.constant 16 : i32
          %mul3A_97 = arith.muli %add3A_95, %mul3A_96 : i32
          %get3A_98 = arith.index_cast %mul3A_97 : i32 to index
          %get3A_99 = tpu.vector_load %arg7[%get3A_98] {strides = array<i32>} : memref<8192xf32, #tpu.memory_space<vmem>>, vector<16xf32>,
          %sub3A_100 = vector.broadcast %mul3A_24 : i32 to vector<16xi32>
          %sub3A_101 = arith.subi %get3A_93, %sub3A_100 : vector<16xi32>
          %ge3A_102 = arith.constant 0 : i32
          %ge3A_103 = vector.broadcast %ge3A_102 : i32 to vector<16xi32>
          %ge3A_104 = arith.cmpi sge, %sub3A_101, %ge3A_103 : vector<16xi32>
          %lt3A_105 = arith.constant 1572864 : i32
          %lt3A_106 = vector.broadcast %lt3A_105 : i32 to vector<16xi32>
          %lt3A_107 = arith.cmpi slt, %sub3A_101, %lt3A_106 : vector<16xi32>
          %and3A_108 = arith.andi %ge3A_104, %lt3A_107 : vector<16xi1>
          %jit3A_109 = arith.constant 1 : i32
          %jit3A_110 = arith.constant 0 : i32
          %broadcast_in_dim3A_111 = vector.broadcast %jit3A_109 : i32 to vector<16xi32>
          %broadcast_in_dim3A_112 = vector.broadcast %jit3A_110 : i32 to vector<16xi32>
          %select_n3A_113 = arith.select %and3A_108, %broadcast_in_dim3A_111, %broadcast_in_dim3A_112 : vector<16xi1>, vector<16xi32>
          %broadcast_in_dim3A_114 = arith.constant true
          %broadcast_in_dim3A_115 = vector.broadcast %broadcast_in_dim3A_114 : i1 to vector<16xi1>
          %masked_cumsum3A_116 = tpu.scan <sum>, %select_n3A_113 masked %broadcast_in_dim3A_115 : vector<16xi32>, vector<16xi1> -> vector<16xi32>
          %add3A_117 = arith.constant 2 : i32
          %add3A_118 = arith.addi %mul3A_66, %add3A_117 : i32
          %mul3A_119 = arith.constant 16 : i32
          %mul3A_120 = arith.muli %add3A_118, %mul3A_119 : i32
          %get3A_121 = arith.index_cast %mul3A_120 : i32 to index
          %get3A_122 = tpu.vector_load %arg6[%get3A_121] {strides = array<i32>} : memref<8192xi32, #tpu.memory_space<vmem>>, vector<16xi32>,
          %add3A_123 = arith.constant 2 : i32
          %add3A_124 = arith.addi %mul3A_66, %add3A_123 : i32
          %mul3A_125 = arith.constant 16 : i32
          %mul3A_126 = arith.muli %add3A_124, %mul3A_125 : i32
          %get3A_127 = arith.index_cast %mul3A_126 : i32 to index
          %get3A_128 = tpu.vector_load %arg7[%get3A_127] {strides = array<i32>} : memref<8192xf32, #tpu.memory_space<vmem>>, vector<16xf32>,
          %sub3A_129 = vector.broadcast %mul3A_24 : i32 to vector<16xi32>
          %sub3A_130 = arith.subi %get3A_122, %sub3A_129 : vector<16xi32>
          %ge3A_131 = arith.constant 0 : i32
          %ge3A_132 = vector.broadcast %ge3A_131 : i32 to vector<16xi32>
          %ge3A_133 = arith.cmpi sge, %sub3A_130, %ge3A_132 : vector<16xi32>
          %lt3A_134 = arith.constant 1572864 : i32
          %lt3A_135 = vector.broadcast %lt3A_134 : i32 to vector<16xi32>
          %lt3A_136 = arith.cmpi slt, %sub3A_130, %lt3A_135 : vector<16xi32>
          %and3A_137 = arith.andi %ge3A_133, %lt3A_136 : vector<16xi1>
          %jit3A_138 = arith.constant 1 : i32
          %jit3A_139 = arith.constant 0 : i32
          %broadcast_in_dim3A_140 = vector.broadcast %jit3A_138 : i32 to vector<16xi32>
          %broadcast_in_dim3A_141 = vector.broadcast %jit3A_139 : i32 to vector<16xi32>
          %select_n3A_142 = arith.select %and3A_137, %broadcast_in_dim3A_140, %broadcast_in_dim3A_141 : vector<16xi1>, vector<16xi32>
          %broadcast_in_dim3A_143 = arith.constant true
          %broadcast_in_dim3A_144 = vector.broadcast %broadcast_in_dim3A_143 : i1 to vector<16xi1>
          %masked_cumsum3A_145 = tpu.scan <sum>, %select_n3A_142 masked %broadcast_in_dim3A_144 : vector<16xi32>, vector<16xi1> -> vector<16xi32>
          %add3A_146 = arith.constant 3 : i32
          %add3A_147 = arith.addi %mul3A_66, %add3A_146 : i32
          %mul3A_148 = arith.constant 16 : i32
          %mul3A_149 = arith.muli %add3A_147, %mul3A_148 : i32
          %get3A_150 = arith.index_cast %mul3A_149 : i32 to index
          %get3A_151 = tpu.vector_load %arg6[%get3A_150] {strides = array<i32>} : memref<8192xi32, #tpu.memory_space<vmem>>, vector<16xi32>,
          %add3A_152 = arith.constant 3 : i32
          %add3A_153 = arith.addi %mul3A_66, %add3A_152 : i32
          %mul3A_154 = arith.constant 16 : i32
          %mul3A_155 = arith.muli %add3A_153, %mul3A_154 : i32
          %get3A_156 = arith.index_cast %mul3A_155 : i32 to index
          %get3A_157 = tpu.vector_load %arg7[%get3A_156] {strides = array<i32>} : memref<8192xf32, #tpu.memory_space<vmem>>, vector<16xf32>,
          %sub3A_158 = vector.broadcast %mul3A_24 : i32 to vector<16xi32>
          %sub3A_159 = arith.subi %get3A_151, %sub3A_158 : vector<16xi32>
          %ge3A_160 = arith.constant 0 : i32
          %ge3A_161 = vector.broadcast %ge3A_160 : i32 to vector<16xi32>
          %ge3A_162 = arith.cmpi sge, %sub3A_159, %ge3A_161 : vector<16xi32>
          %lt3A_163 = arith.constant 1572864 : i32
          %lt3A_164 = vector.broadcast %lt3A_163 : i32 to vector<16xi32>
          %lt3A_165 = arith.cmpi slt, %sub3A_159, %lt3A_164 : vector<16xi32>
          %and3A_166 = arith.andi %ge3A_162, %lt3A_165 : vector<16xi1>
          %jit3A_167 = arith.constant 1 : i32
          %jit3A_168 = arith.constant 0 : i32
          %broadcast_in_dim3A_169 = vector.broadcast %jit3A_167 : i32 to vector<16xi32>
          %broadcast_in_dim3A_170 = vector.broadcast %jit3A_168 : i32 to vector<16xi32>
          %select_n3A_171 = arith.select %and3A_166, %broadcast_in_dim3A_169, %broadcast_in_dim3A_170 : vector<16xi1>, vector<16xi32>
          %broadcast_in_dim3A_172 = arith.constant true
          %broadcast_in_dim3A_173 = vector.broadcast %broadcast_in_dim3A_172 : i1 to vector<16xi1>
          %masked_cumsum3A_174 = tpu.scan <sum>, %select_n3A_171 masked %broadcast_in_dim3A_173 : vector<16xi32>, vector<16xi1> -> vector<16xi32>
          %sub3A_175 = arith.subi %masked_cumsum3A, %select_n3A : vector<16xi32>
          %add3A_176 = arith.addi %sub3A_175, %scan3A_64 : vector<16xi32>
          tpu.vector_store_idx %arg8[%add3A_176], %sub3A_78 masked %and3A : memref<128xi32, #tpu.memory_space<vmem>>[vector<16xi32>], vector<16xi32>, vector<16xi1>
          tpu.vector_store_idx %arg9[%add3A_176], %get3A_77 masked %and3A : memref<128xf32, #tpu.memory_space<vmem>>[vector<16xi32>], vector<16xf32>, vector<16xi1>
          %lt3A_177 = arith.constant 0 : i32
          %lt3A_178 = vector.broadcast %lt3A_177 : i32 to vector<16xi32>
          %lt3A_179 = arith.cmpi slt, %broadcast_in_dim3A_14, %lt3A_178 : vector<16xi32>
          %add3A_180 = arith.constant 16 : i32
          %add3A_181 = vector.broadcast %add3A_180 : i32 to vector<16xi32>
          %add3A_182 = arith.addi %broadcast_in_dim3A_14, %add3A_181 : vector<16xi32>
          %select_n3A_183 = arith.select %lt3A_179, %add3A_182, %broadcast_in_dim3A_14 : vector<16xi1>, vector<16xi32>
          %broadcast_in_dim3A_184 = vector.shape_cast %select_n3A_183 : vector<16xi32> to vector<16x1xi32>
          %gather3A = vector.shape_cast %broadcast_in_dim3A_184 : vector<16x1xi32> to vector<16xi32>
          %gather3A_185 = tpu.dynamic_gather %masked_cumsum3A[%gather3A] in [0] : vector<16xi32>, vector<16xi32> -> vector<16xi32>
          %add3A_186 = arith.addi %scan3A_64, %gather3A_185 : vector<16xi32>
          %sub3A_187 = arith.subi %masked_cumsum3A_116, %select_n3A_113 : vector<16xi32>
          %add3A_188 = arith.addi %sub3A_187, %add3A_186 : vector<16xi32>
          tpu.vector_store_idx %arg8[%add3A_188], %sub3A_101 masked %and3A_108 : memref<128xi32, #tpu.memory_space<vmem>>[vector<16xi32>], vector<16xi32>, vector<16xi1>
          tpu.vector_store_idx %arg9[%add3A_188], %get3A_99 masked %and3A_108 : memref<128xf32, #tpu.memory_space<vmem>>[vector<16xi32>], vector<16xf32>, vector<16xi1>
          %lt3A_189 = arith.constant 0 : i32
          %lt3A_190 = vector.broadcast %lt3A_189 : i32 to vector<16xi32>
          %lt3A_191 = arith.cmpi slt, %broadcast_in_dim3A_14, %lt3A_190 : vector<16xi32>
          %add3A_192 = arith.constant 16 : i32
          %add3A_193 = vector.broadcast %add3A_192 : i32 to vector<16xi32>
          %add3A_194 = arith.addi %broadcast_in_dim3A_14, %add3A_193 : vector<16xi32>
          %select_n3A_195 = arith.select %lt3A_191, %add3A_194, %broadcast_in_dim3A_14 : vector<16xi1>, vector<16xi32>
          %broadcast_in_dim3A_196 = vector.shape_cast %select_n3A_195 : vector<16xi32> to vector<16x1xi32>
          %gather3A_197 = vector.shape_cast %broadcast_in_dim3A_196 : vector<16x1xi32> to vector<16xi32>
          %gather3A_198 = tpu.dynamic_gather %masked_cumsum3A_116[%gather3A_197] in [0] : vector<16xi32>, vector<16xi32> -> vector<16xi32>
          %add3A_199 = arith.addi %add3A_186, %gather3A_198 : vector<16xi32>
          %sub3A_200 = arith.subi %masked_cumsum3A_145, %select_n3A_142 : vector<16xi32>
          %add3A_201 = arith.addi %sub3A_200, %add3A_199 : vector<16xi32>
          tpu.vector_store_idx %arg8[%add3A_201], %sub3A_130 masked %and3A_137 : memref<128xi32, #tpu.memory_space<vmem>>[vector<16xi32>], vector<16xi32>, vector<16xi1>
          tpu.vector_store_idx %arg9[%add3A_201], %get3A_128 masked %and3A_137 : memref<128xf32, #tpu.memory_space<vmem>>[vector<16xi32>], vector<16xf32>, vector<16xi1>
          %lt3A_202 = arith.constant 0 : i32
          %lt3A_203 = vector.broadcast %lt3A_202 : i32 to vector<16xi32>
          %lt3A_204 = arith.cmpi slt, %broadcast_in_dim3A_14, %lt3A_203 : vector<16xi32>
          %add3A_205 = arith.constant 16 : i32
          %add3A_206 = vector.broadcast %add3A_205 : i32 to vector<16xi32>
          %add3A_207 = arith.addi %broadcast_in_dim3A_14, %add3A_206 : vector<16xi32>
          %select_n3A_208 = arith.select %lt3A_204, %add3A_207, %broadcast_in_dim3A_14 : vector<16xi1>, vector<16xi32>
          %broadcast_in_dim3A_209 = vector.shape_cast %select_n3A_208 : vector<16xi32> to vector<16x1xi32>
          %gather3A_210 = vector.shape_cast %broadcast_in_dim3A_209 : vector<16x1xi32> to vector<16xi32>
          %gather3A_211 = tpu.dynamic_gather %masked_cumsum3A_145[%gather3A_210] in [0] : vector<16xi32>, vector<16xi32> -> vector<16xi32>
          %add3A_212 = arith.addi %add3A_199, %gather3A_211 : vector<16xi32>
          %sub3A_213 = arith.subi %masked_cumsum3A_174, %select_n3A_171 : vector<16xi32>
          %add3A_214 = arith.addi %sub3A_213, %add3A_212 : vector<16xi32>
          tpu.vector_store_idx %arg8[%add3A_214], %sub3A_159 masked %and3A_166 : memref<128xi32, #tpu.memory_space<vmem>>[vector<16xi32>], vector<16xi32>, vector<16xi1>
          tpu.vector_store_idx %arg9[%add3A_214], %get3A_157 masked %and3A_166 : memref<128xf32, #tpu.memory_space<vmem>>[vector<16xi32>], vector<16xf32>, vector<16xi1>
          %lt3A_215 = arith.constant 0 : i32
          %lt3A_216 = vector.broadcast %lt3A_215 : i32 to vector<16xi32>
          %lt3A_217 = arith.cmpi slt, %broadcast_in_dim3A_14, %lt3A_216 : vector<16xi32>
          %add3A_218 = arith.constant 16 : i32
          %add3A_219 = vector.broadcast %add3A_218 : i32 to vector<16xi32>
          %add3A_220 = arith.addi %broadcast_in_dim3A_14, %add3A_219 : vector<16xi32>
          %select_n3A_221 = arith.select %lt3A_217, %add3A_220, %broadcast_in_dim3A_14 : vector<16xi1>, vector<16xi32>
          %broadcast_in_dim3A_222 = vector.shape_cast %select_n3A_221 : vector<16xi32> to vector<16x1xi32>
          %gather3A_223 = vector.shape_cast %broadcast_in_dim3A_222 : vector<16x1xi32> to vector<16xi32>
          %gather3A_224 = tpu.dynamic_gather %masked_cumsum3A_174[%gather3A_223] in [0] : vector<16xi32>, vector<16xi32> -> vector<16xi32>
          %add3A_225 = arith.addi %add3A_212, %gather3A_224 : vector<16xi32>
          %ge3A_226 = arith.constant 64 : i32
          %ge3A_227 = vector.broadcast %ge3A_226 : i32 to vector<16xi32>
          %ge3A_228 = arith.cmpi sge, %add3A_225, %ge3A_227 : vector<16xi32>
          %reduce_or3A = arith.constant 1.000000e+00 : f32
          %reduce_or3A_229 = arith.constant 0.000000e+00 : f32
          %reduce_or3A_230 = vector.broadcast %reduce_or3A : f32 to vector<16xf32>
          %reduce_or3A_231 = vector.broadcast %reduce_or3A_229 : f32 to vector<16xf32>
          %reduce_or3A_232 = arith.select %ge3A_228, %reduce_or3A_230, %reduce_or3A_231 : vector<16xi1>, vector<16xf32>
          %reduce_or3A_233 = arith.constant true
          %reduce_or3A_234 = vector.broadcast %reduce_or3A_233 : i1 to vector<16xi1>
          %reduce_or3A_235 = tpu.scan <max>, %reduce_or3A_232 masked %reduce_or3A_234 : vector<16xf32>, vector<16xi1> -> vector<16xf32>
          %reduce_or3A_236 = vector.extract %reduce_or3A_235[15] : f32 from vector<16xf32>
          %reduce_or3A_237 = arith.constant 0.000000e+00 : f32
          %reduce_or3A_238 = arith.cmpf ogt, %reduce_or3A_236, %reduce_or3A_237 : f32
          %convert_element_type3A = arith.extui %reduce_or3A_238 : i1 to i32
          %cond3A = arith.constant 0 : i32
          %cond3A_239 = arith.cmpi ne, %convert_element_type3A, %cond3A : i32
          %cond3A_240 = scf.if %cond3A_239 -> (vector<16xi32>) {
            "tpu.region"() ({
              %run_scoped3A = tpu.sem_alloc : memref<!tpu.dma_semaphore, #tpu.memory_space<semaphore_mem>>
              %dma_start3A = arith.constant 0 : i32
              %dma_start3A_248 = tpu.memref_slice %arg5[%dma_start3A] : memref<1572864xf32, #tpu.memory_space<vmem_shared>> -> memref<1572864xf32, #tpu.memory_space<vmem_shared>>
              tpu.enqueue_indirect_dma source(%arg9 : memref<128xf32, #tpu.memory_space<vmem>>) target(%dma_start3A_248 : memref<1572864xf32, #tpu.memory_space<vmem_shared>>) offsets(%arg8 : memref<128xi32, #tpu.memory_space<vmem>>) semaphore(%run_scoped3A : memref<!tpu.dma_semaphore, #tpu.memory_space<semaphore_mem>>) {add = true}
              %dma_wait3A = arith.constant 0 : i32
              %dma_wait3A_249 = tpu.memref_slice %arg5[%dma_wait3A] : memref<1572864xf32, #tpu.memory_space<vmem_shared>> -> memref<1572864xf32, #tpu.memory_space<vmem_shared>>
              tpu.wait_indirect_dma semaphore(%run_scoped3A : memref<!tpu.dma_semaphore, #tpu.memory_space<semaphore_mem>>) src(%arg9 : memref<128xf32, #tpu.memory_space<vmem>>) dst(%dma_wait3A_249 : memref<1572864xf32, #tpu.memory_space<vmem_shared>>)
              tpu.yield
            }) : () -> ()
            %scan3A_241 = arith.constant 0 : i32
            %scan3A_242 = arith.constant 8 : i32
            %scan3A_243 = arith.addi %scan3A_241, %scan3A_242 : i32
            %scan3A_244 = arith.constant 1 : i32
            scf.for %scan3A_248 = %scan3A_241 to %scan3A_243 step %scan3A_244  : i32 {
              %mul3A_249 = arith.constant 16 : i32
              %mul3A_250 = arith.muli %scan3A_248, %mul3A_249 : i32
              %swap3A = arith.index_cast %mul3A_250 : i32 to index
              %swap3A_251 = tpu.vector_load %arg9[%swap3A] {strides = array<i32>} : memref<128xf32, #tpu.memory_space<vmem>>, vector<16xf32>,
              tpu.vector_store %arg9[%swap3A], %broadcast_in_dim3A_1 {strides = array<i32>} : memref<128xf32, #tpu.memory_space<vmem>>, vector<16xf32>,
            }
            %scan3A_245 = arith.constant 8 : i32
            %broadcast_in_dim3A_246 = arith.constant 0 : i32
            %broadcast_in_dim3A_247 = vector.broadcast %broadcast_in_dim3A_246 : i32 to vector<16xi32>
            scf.yield %broadcast_in_dim3A_247 : vector<16xi32>
          } else {
            scf.yield %add3A_225 : vector<16xi32>
          }
          scf.yield %cond3A_240 : vector<16xi32>
        }
        %scan3A_62 = arith.constant 128 : i32
        scf.yield %scan3A_61 : vector<16xi32>
      }
      %scan3A_37 = arith.constant 96 : i32
      "tpu.region"() ({
        %run_scoped3A = tpu.sem_alloc : memref<!tpu.dma_semaphore, #tpu.memory_space<semaphore_mem>>
        %dma_start3A = arith.constant 0 : i32
        %dma_start3A_51 = tpu.memref_slice %arg5[%dma_start3A] : memref<1572864xf32, #tpu.memory_space<vmem_shared>> -> memref<1572864xf32, #tpu.memory_space<vmem_shared>>
        tpu.enqueue_indirect_dma source(%arg9 : memref<128xf32, #tpu.memory_space<vmem>>) target(%dma_start3A_51 : memref<1572864xf32, #tpu.memory_space<vmem_shared>>) offsets(%arg8 : memref<128xi32, #tpu.memory_space<vmem>>) semaphore(%run_scoped3A : memref<!tpu.dma_semaphore, #tpu.memory_space<semaphore_mem>>) {add = true}
        %dma_wait3A = arith.constant 0 : i32
        %dma_wait3A_52 = tpu.memref_slice %arg5[%dma_wait3A] : memref<1572864xf32, #tpu.memory_space<vmem_shared>> -> memref<1572864xf32, #tpu.memory_space<vmem_shared>>
        tpu.wait_indirect_dma semaphore(%run_scoped3A : memref<!tpu.dma_semaphore, #tpu.memory_space<semaphore_mem>>) src(%arg9 : memref<128xf32, #tpu.memory_space<vmem>>) dst(%dma_wait3A_52 : memref<1572864xf32, #tpu.memory_space<vmem_shared>>)
        tpu.yield
      }) : () -> ()
      %scan3A_38 = arith.constant 0 : i32
      %scan3A_39 = arith.constant 8 : i32
      %scan3A_40 = arith.addi %scan3A_38, %scan3A_39 : i32
      %scan3A_41 = arith.constant 1 : i32
      scf.for %scan3A_51 = %scan3A_38 to %scan3A_40 step %scan3A_41  : i32 {
        %mul3A_52 = arith.constant 16 : i32
        %mul3A_53 = arith.muli %scan3A_51, %mul3A_52 : i32
        %swap3A = arith.index_cast %mul3A_53 : i32 to index
        %swap3A_54 = tpu.vector_load %arg9[%swap3A] {strides = array<i32>} : memref<128xf32, #tpu.memory_space<vmem>>, vector<16xf32>,
        tpu.vector_store %arg9[%swap3A], %broadcast_in_dim3A_1 {strides = array<i32>} : memref<128xf32, #tpu.memory_space<vmem>>, vector<16xf32>,
      }
      %scan3A_42 = arith.constant 8 : i32
      %barrier3A_43 = arith.constant 0 : index
      tpu.barrier barrier_id(%barrier3A_43)
      %mul3A_44 = arith.constant 98304 : i32
      %mul3A_45 = arith.muli %arg1, %mul3A_44 : i32
      %multiple_of3A = tpu.assume_multiple %mul3A_45, 98304 : i32
      %mul3A_46 = arith.constant 98304 : i32
      %mul3A_47 = arith.muli %arg1, %mul3A_46 : i32
      %add3A_48 = arith.addi %mul3A_24, %mul3A_47 : i32
      %multiple_of3A_49 = tpu.assume_multiple %add3A_48, 98304 : i32
      "tpu.region"() ({
        %run_scoped3A = tpu.sem_alloc : memref<!tpu.dma_semaphore, #tpu.memory_space<semaphore_mem>>
        %dma_start3A = tpu.memref_slice %arg4[%multiple_of3A_49] : memref<50331648xf32, #tpu.memory_space<hbm>> -> memref<98304xf32, #tpu.memory_space<hbm>>
        %dma_start3A_51 = tpu.memref_slice %arg5[%multiple_of3A] : memref<1572864xf32, #tpu.memory_space<vmem_shared>> -> memref<98304xf32, #tpu.memory_space<vmem_shared>>
        tpu.enqueue_dma source(%dma_start3A_51 : memref<98304xf32, #tpu.memory_space<vmem_shared>>) target(%dma_start3A : memref<98304xf32, #tpu.memory_space<hbm>>) target_semaphore(%run_scoped3A : memref<!tpu.dma_semaphore, #tpu.memory_space<semaphore_mem>>)
        %dma_wait3A = tpu.memref_slice %arg4[%multiple_of3A_49] : memref<50331648xf32, #tpu.memory_space<hbm>> -> memref<98304xf32, #tpu.memory_space<hbm>>
        %dma_wait3A_52 = tpu.memref_slice %arg5[%multiple_of3A] : memref<1572864xf32, #tpu.memory_space<vmem_shared>> -> memref<98304xf32, #tpu.memory_space<vmem_shared>>
        tpu.wait_dma2 semaphore(%run_scoped3A : memref<!tpu.dma_semaphore, #tpu.memory_space<semaphore_mem>>) src(%dma_wait3A_52 : memref<98304xf32, #tpu.memory_space<vmem_shared>>) dst(%dma_wait3A : memref<98304xf32, #tpu.memory_space<hbm>>)
        tpu.yield
      }) : () -> ()
      %barrier3A_50 = arith.constant 0 : index
      tpu.barrier barrier_id(%barrier3A_50)
    }
    %scan3A_19 = arith.constant 16 : i32
    return
  }
}

</mosaic_0001>

<sc_bundles>
// kernel: _unpool.3.cloned.1.call-start
scs
__scs_entry_jumppad:
0x0: {  	(pc) =	sbr.rel $0x88, $3  }
0x1: {  	(tag) =	ssettag $0x0;
	lr =	simm.s32 $0x1  }
0x2: {  	[smem:$0x3F9F] =	sst lr;
	_ =	strace $0xD0000000  }
0x3: {  	_ = 	snop  }
0x4: {  	_ = 	snop  }
0x5: {  	_ = 	snop  }
0x6: {  	_ = 	snop  }
0x7: {  	_ = 	snop  }
__scs_overlays_trampoline_lowered:
0x8: {  	[smem:$0x3FAE] =	sst s0  }
0x9: {  	[smem:$0x3FAF] =	sst s1  }
0xa: {  	[smem:$0x3FB0] =	sst s2  }
0xb: {  	[smem:$0x3FB1] =	sst s3  }
0xc: {  	[smem:$0x3FB2] =	sst s4  }
0xd: {  	[smem:$0x3FB3] =	sst s5  }
0xe: {  	[smem:$0x3FB4] =	sst s6  }
0xf: {  	[smem:$0x3FB5] =	sst s7  }
0x10: {  	[smem:$0x3FB6] =	sst s8  }
0x11: {  	[smem:$0x3FB7] =	sst s9;
	s0 =	simm.s32 @!p0 $0x0  }
0x12: {  	s1 =	sld [smem:$0x3F9D];
	s0 =	simm.s32 @p0 $0x1  }
0x13: {  	[smem:$0x3FB8] =	sst s0;
	s0 =	simm.s32 @!p1 $0x0  }
0x14: {  	s2 =	sld [smem:$0x3F9C];
	s0 =	simm.s32 @p1 $0x1  }
0x15: {  	[smem:$0x3FB9] =	sst s0;
	s0 =	simm.s32 @!p2 $0x0  }
0x16: {  	s3 =	sld [smem:$0x3FDB];
	s0 =	simm.s32 @p2 $0x1  }
0x17: {  	s4 =	simm.s32 $0x1BF5;
	[smem:$0x3FBB] =	sst s0  }
0x18: {  	s0 =	sld [smem:$0x3F9E];
	_ =	swait.ge [sflag:s4], $0x0  }
0x19: {  	s7 =	sld [smem:$0x3F9F]  }
0x1a: {  	s8 =	sadd.s32 $0xFFFFE003, lr  }
0x1b: {  	s9 =	sadd.s32 $0xFFFFFEF7, lr;
	s5 =	simm.s32 $0xFFFFFFFF;
	p2 =	slt.u32 s8, $0xFFFFF086  }
0x1c: {  	p1 =	slt.u32 s9, $0xF7A;
	s5 =	simm.s32 @!p2 $0x0  }
0x1d: {  	s5 =	simm.s32 @p1 $0x1;
	p0 =	seq.s32 s7, s2  }
0x1e: {  	s7 =	smul.u32 @!p0 $0xF7A, s2;
	p2 =	seq.s32 @!p0 s5, $0x0  }
0x1f: {  	s9 =	smul.u32 $0xF7A, s1;
	s8 =	simm.s32 @!p0 $0x1BF5;
	p2 =	por !p2, p0  }
0x20: {  	[sflag:s8] =	ssyncset.s32 @!p0 $0xFFFFF086;
	s6 =	sadd.s32 @!p0 s3, s7;
	s7 =	simm.s32 @!p0 $0x108  }
0x21: {  	s3 =	sadd.s32 s3, s9;
	s6 =	sadd.s32 @!p0 $0x88, s6;
	s7 =	simm.s32 @p2 $0x1082  }
0x22: {  	[simem:s7], [sflag:s8] =	dma.local @!p0 [hbm:s6], $0xF7A  }
0x23: {  	s9 =	sor.u32 $0xD0000000, s2;
	s6 =	simm.s32 $0x108;
	_ =	swait.ge @!p0 [sflag:s8], $0x0  }
0x24: {  	s3 =	sadd.s32 $0x88, s3;
	s6 =	simm.s32 @!p1 $0x1082;
	[sflag:s4] =	ssyncset.s32 $0xFFFFF086  }
0x25: {  	[simem:s6], [sflag:s4] =	dma.local [hbm:s3], $0xF7A  }
0x26: {  	[smem:$0x3F9F] =	sst s1;
	(tag) =	ssettag s2;
	_ =	strace s9  }
0x27: {  	s1 =	sld [smem:$0x3FAF]  }
0x28: {  	s2 =	sld [smem:$0x3FB0]  }
0x29: {  	s4 =	sld [smem:$0x3FB2]  }
0x2a: {  	p0 =	seq.s32 s5, $0x0;
	s5 =	sld [smem:$0x3FB3]  }
0x2b: {  	s6 =	sld [smem:$0x3FB4]  }
0x2c: {  	s7 =	sld [smem:$0x3FB5]  }
0x2d: {  	s3 =	simm.s32 $0x108;
	s8 =	sld [smem:$0x3FB6]  }
0x2e: {  	s3 =	simm.s32 @!p0 $0x1082;
	s9 =	sld [smem:$0x3FB7]  }
0x2f: {  	lr =	sadd.s32 s0, s3;
	s0 =	sld [smem:$0x3FAE]  }
0x30: {  	s3 =	sld [smem:$0x3FB1]  }
0x31: {  	[smem:$0x3FBA] =	sst s10  }
0x32: {  	s10 =	sld [smem:$0x3FB8];
	_ =	sdelay $0x3  }
0x33: {  	p0 =	seq.s32 s10, $0x1;
	s10 =	sld [smem:$0x3FBA];
	_ =	sdelay $0x3  }
0x34: {  	[smem:$0x3FBA] =	sst s10  }
0x35: {  	s10 =	sld [smem:$0x3FB9];
	_ =	sdelay $0x3  }
0x36: {  	p1 =	seq.s32 s10, $0x1;
	s10 =	sld [smem:$0x3FBA];
	_ =	sdelay $0x3  }
0x37: {  	[smem:$0x3FBA] =	sst s10  }
0x38: {  	s10 =	sld [smem:$0x3FBB]  }
0x39: {  	_ = 	snop;
	(pc) =	sbr.ind lr, $3  }
0x3a: {  	_ = 	snop  }
0x3b: {  	_ = 	snop  }
0x3c: {  	p2 =	seq.s32 s10, $0x1;
	s10 =	sld [smem:$0x3FBA]  }
0x3d: {  	_ =	shalt  }
0x3e: {  	_ =	shalt  }
0x3f: {  	_ =	shalt  }
0x40: {  	_ =	shalt  }
0x41: {  	_ =	shalt  }
0x42: {  	_ =	shalt  }
0x43: {  	_ =	shalt  }
0x44: {  	_ =	shalt  }
0x45: {  	_ =	shalt  }
0x46: {  	_ =	shalt  }
0x47: {  	_ =	shalt  }
0x48: {  	_ =	shalt  }
0x49: {  	_ =	shalt  }
0x4a: {  	_ =	shalt  }
0x4b: {  	_ =	shalt  }
0x4c: {  	_ =	shalt  }
0x4d: {  	_ =	shalt  }
0x4e: {  	_ =	shalt  }
0x4f: {  	_ =	shalt  }
0x50: {  	_ =	shalt  }
0x51: {  	_ =	shalt  }
0x52: {  	_ =	shalt  }
0x53: {  	_ =	shalt  }
0x54: {  	_ =	shalt  }
0x55: {  	_ =	shalt  }
0x56: {  	_ =	shalt  }
0x57: {  	_ =	shalt  }
0x58: {  	_ =	shalt  }
0x59: {  	_ =	shalt  }
0x5a: {  	_ =	shalt  }
0x5b: {  	_ =	shalt  }
0x5c: {  	_ =	shalt  }
0x5d: {  	_ =	shalt  }
0x5e: {  	_ =	shalt  }
0x5f: {  	_ =	shalt  }
0x60: {  	_ =	shalt  }
0x61: {  	_ =	shalt  }
0x62: {  	_ =	shalt  }
0x63: {  	_ =	shalt  }
0x64: {  	_ =	shalt  }
0x65: {  	_ =	shalt  }
0x66: {  	_ =	shalt  }
0x67: {  	_ =	shalt  }
0x68: {  	_ =	shalt  }
0x69: {  	_ =	shalt  }
0x6a: {  	_ =	shalt  }
0x6b: {  	_ =	shalt  }
0x6c: {  	_ =	shalt  }
0x6d: {  	_ =	shalt  }
0x6e: {  	_ =	shalt  }
0x6f: {  	_ =	shalt  }
0x70: {  	_ =	shalt  }
0x71: {  	_ =	shalt  }
0x72: {  	_ =	shalt  }
0x73: {  	_ =	shalt  }
0x74: {  	_ =	shalt  }
0x75: {  	_ =	shalt  }
0x76: {  	_ =	shalt  }
0x77: {  	_ =	shalt  }
0x78: {  	_ =	shalt  }
0x79: {  	_ =	shalt  }
0x7a: {  	_ =	shalt  }
0x7b: {  	_ =	shalt  }
0x7c: {  	_ =	shalt  }
0x7d: {  	_ =	shalt  }
0x7e: {  	_ =	shalt  }
0x7f: {  	_ =	shalt  }
0x80: {  	_ =	shalt  }
0x81: {  	_ =	shalt  }
0x82: {  	_ =	shalt  }
0x83: {  	_ =	shalt  }
0x84: {  	_ =	shalt  }
0x85: {  	_ =	shalt  }
0x86: {  	_ =	shalt  }
0x87: {  	_ =	shalt  }
.Lfunc_end0:
.L_simem_size_0:
called_computation_lowered:
.L_overlay_start_0:
0x88: {  	s2 =	sld [smem:$0x3FD9]  }
0x89: {  	s3 =	sld [smem:$0x3FFE];
	_ =	sdelay $0x1  }
0x8a: {  	s1 =	srdreg.scid  }
0x8b: {  	s0 =	sand.u32 $0x1, s1  }
0x8c: {  	s18 =	sshll.u32 s0, $0xA;
	s2 =	sadd.s32 s3, s2  }
0x8d: {  	s2 =	sadd.s32 s2, s18  }
0x8e: {  	[smem:$0x3FC6] =	sst s2  }
0x8f: {  	_ = 	snop  }
0x90: {  	s2 =	sld [smem:$0x3FC9]  }
0x91: {  	s19 =	sld [smem:$0x3FC8]  }
0x92: {  	s4 =	sld [smem:$0x3FD0];
	(tm) =	ssettm $0x1  }
0x93: {  	s5 =	sld [smem:$0x3FFB];
	_ =	sdelay $0x3  }
0x94: {  	_ =	strace s5  }
0x95: {  	s5 =	sld [smem:$0x3FFC];
	_ =	sdelay $0x3  }
0x96: {  	_ =	strace s5  }
0x97: {  	s5 =	sld [smem:$0x3FFD];
	_ =	sdelay $0x3  }
0x98: {  	_ =	strace s5  }
0x99: {  	_ =	strace $0x8FFFFFFF  }
0x9a: {  	s20 =	sld [smem:$0x3FDB];
	_ =	sdelay $0x1  }
0x9b: {  	s6 =	simm.s32 $_scs_section_size  }
0x9c: {  	s7 =	simm.s32 $_size__tile_overlayer_lowered;
	s8 =	simm.s32 $_tile_overlayer_lowered  }
0x9d: {  	s23 =	simm.s32 $0x1BFF;
	s22 =	sshll.u32 s8, $0x1;
	s5 =	sadd.s32 s6, s20  }
0x9e: {  	s9 =	simm.s32 $0x0;
	s21 =	sshll.u32 s7, $0x1;
	s7 =	sadd.s32 s22, s5  }
0x9f: {  	[timem:s9], [sflag:s23] =	dma.local [hbm:s7], s21  }
0xa0: {  	_ =	swait.ge [sflag:s23], s21  }
0xa1: {  	s6 =	ssub.s32 $0x0, s21;
	[sflag:s23] =	ssyncset.done $0x0  }
0xa2: {  	[sflag:s23] =	ssyncadd.s32 s6;
	_ =	sdelay $0x1  }
0xa3: {  	s24 =	simm.s32 $0x1B8B  }
0xa4: {  	_ =	swait.ge [sflag:s24], $0x1  }
0xa5: {  	[sflag:s24] =	ssyncset.done $0x0  }
0xa6: {  	s25 =	simm.s32 $0x1B8E;
	[sflag:s24] =	ssyncadd.s32 $0xFFFFFFFF  }
0xa7: {  	s26 =	simm.s32 $execute0_lowered;
	[smem:$0x3FD2] =	sst s25  }
0xa8: {  	s6 =	sshll.u32 s26, $0x1;
	_ =	strace $0x80000046;
	[dreg:$0x1] =	wrdreg $0xFFFFFFFF  }
0xa9: {  	s28 =	simm.s32 $_size_execute0_lowered;
	s5 =	sadd.s32 s5, s6;
	[dreg:$0x0] =	wrdreg $0x0  }
0xaa: {  	s6 =	sshll.u32 s28, $0x1;
	[dreg:$0x2] =	wrdreg s5  }
0xab: {  	[dreg:$0x3] =	wrdreg s6  }
0xac: {  	[dreg:$0x4] =	wrdreg $0xC0  }
0xad: {  	_ =	task [dreg:s9], $0x5FFFF  }
0xae: {  	[dreg:$0x1] =	wrdreg $0xFFFFFFFF  }
0xaf: {  	[dreg:$0x0] =	wrdreg $0x60  }
0xb0: {  	[dreg:$0x2] =	wrdreg s2  }
0xb1: {  	[dreg:$0x3] =	wrdreg s19  }
0xb2: {  	[dreg:$0x4] =	wrdreg s4  }
0xb3: {  	[dreg:$0x5] =	wrdreg $0x0  }
0xb4: {  	[dreg:$0x6] =	wrdreg $0x9  }
0xb5: {  	_ =	task.clear_ibuf [dreg:s9], $0x7FFFF;
	_ =	strace $0x90000046  }
0xb6: {  	s29 =	simm.s32 $0x9;
	_ =	strace $0x80000048  }
0xb7: {  	_ =	swait.ge [sflag:s29], $0x1  }
0xb8: {  	[sflag:s29] =	ssyncadd.s32 $0xFFFFFFFF  }
0xb9: {  	_ =	strace $0x90000048  }
0xba: {  	_ =	sfence  }
0xbb: {  	s30 =	sld [smem:$0x0];
	_ =	sdelay $0x2  }
0xbc: {  	s31 =	sshll.u32 s1, $0xD;
	s1 =	sshrl.u32 s1, $0x2  }
0xbd: {  	s3 =	sand.u32 $0x4000, s31;
	s1 =	sadd.s32 s1, s30  }
0xbe: {  	s0 =	sor.u32 s3, s0;
	s1 =	sshll.u32 s1, $0x11  }
0xbf: {  	s0 =	sor.u32 s1, s0  }
0xc0: {  	s0 =	sadd.s32 $0x8F2B, s0  }
0xc1: {  	[sflag:s0] =	ssyncadd.remote.s32 $0x1  }
0xc2: {  	_ =	sfence.sel $0xFFFF  }
0xc3: {  	[dreg:$0x0] =	wrdreg $0xFFFFFFFF;
	(pc) =	sbr.abs _section_cstart, $3  }
0xc4: {  	[dreg:$0x1] =	wrdreg $0xFFFFFFFF  }
0xc5: {  	_ =	task.clear_ibuf [dreg:s9], $0x2FFFF;
	_ =	strace $0x9FFFFFFF  }
0xc6: {  	(tm) =	ssettm $0x7FFFFFFF  }
0xc7: {  	_ =	shalt  }
tec
execute0_lowered:
.L_overlay_start_1:
0x0: {  	(tag) =	ssettag $0x1  }
0x1: {  	s1 =	rddreg [dreg:$0x0]  }
0x2: {  	s2 =	rddreg [dreg:$0x1]  }
0x3: {  	s5 =	rddreg [dreg:$0x3];
	s7 =	simm.s32 $0x0  }
0x4: {  	s0 =	srdreg.scid;
	s6 =	stileid.u32;
	s23 =	simm.s32 $0x1C100  }
0x5: {  	s24 =	simm.s32 $0x1;
	s28 =	simm.s32 $0x1A000;
	s26 =	smul.u32 $0x60000, s6  }
0x6: {  	s29 =	simm.s32 $0x1C000;
	s30 =	simm.s32 $0x1C080;
	s11 =	smul.u32 $0x18000, s6  }
0x7: {  	[smem:$0x7FF] =	sst s7;
	s3 =	sand.u32 $0x1, s0;
	s9 =	smul.u32 $0xC0000, s6  }
0x8: {  	_ =	strace $0x80000047;
	[dreg:$0x6] =	wrdreg s3;
	s3 =	ssub.s32 $0x2, s3  }
0x9: {  	s4 =	sshrl.u32 s3, $0x1;
	s0 =	sshrl.u32 s26, $0x2;
	s8 =	smov.u32 s11  }
0xa: {  	s31 =	sadd.s32 s11, s5;
	s26 =	simm.s32 $0x18000;
	s3 =	ssub.s32 s3, s4  }
0xb: {  	s10 =	sadd.s32 s0, s5;
	s25 =	sshrl.u32 s31, $0x3;
	s3 =	smax.u32 s3, $0x1  }
0xc: {  	s12 =	sadd.s32 $0x2000, s10;
	s13 =	sadd.s32 $0x4000, s10;
	s14 =	sadd.s32 $0x6000, s10  }
0xd: {  	s15 =	sadd.s32 $0x8000, s10;
	s16 =	sadd.s32 $0xA000, s10;
	s17 =	sadd.s32 $0xC000, s10  }
0xe: {  	s18 =	sadd.s32 $0xE000, s10;
	s19 =	sadd.s32 $0x10000, s10;
	s20 =	sadd.s32 $0x12000, s10  }
0xf: {  	v0 =	vimm.f32 $0.0e+00;
	v1 =	vimm.s32 $0x0;
	v2 =	vimm.s32 $0xF;
	s21 =	sadd.s32 $0x14000, s10;
	s22 =	sadd.s32 $0x16000, s10;
	[dreg:$0x7] =	wrdreg s3  }
.LBB2_1:
0x10: {  	[dreg:$0x5] =	wrdreg s7;
	s0 =	simm.s32 $0x40;
	s3 =	simm.s32 $0x0  }
.LBB2_2:
0x11: {  	p0 =	sne.s32 s0, $0x7FC0;
	[tilespmem:s3+$0x1C100] =	vst v0;
	s3 =	smov.u32 s0;
	s0 =	sadd.s32 $0x40, s0  }
.Ltmp0:
0x12: {  	(pc) =	sbr.rel @p0 .LBB2_2-.Ltmp0, $2  }
0x13: {  	_ =	sdelay $0x2  }
0x14: {  	s3 =	sshra.s32 s3, $0x2  }
0x15: {  	[tilespmem:s3+$0x1C100] =	vst v0  }
0x16: {  	[tilespmem:$0x1C000] =	vst v1  }
0x17: {  	[tilespmem:$0x1C080] =	vst v0  }
0x18: {  	[tilespmem:$0x1C010] =	vst v1  }
0x19: {  	[tilespmem:$0x1C090] =	vst v0  }
0x1a: {  	[tilespmem:$0x1C020] =	vst v1  }
0x1b: {  	[tilespmem:$0x1C0A0] =	vst v0  }
0x1c: {  	[tilespmem:$0x1C030] =	vst v1  }
0x1d: {  	[tilespmem:$0x1C0B0] =	vst v0  }
0x1e: {  	[tilespmem:$0x1C040] =	vst v1  }
0x1f: {  	[tilespmem:$0x1C0C0] =	vst v0  }
0x20: {  	[tilespmem:$0x1C050] =	vst v1  }
0x21: {  	[tilespmem:$0x1C0D0] =	vst v0  }
0x22: {  	[tilespmem:$0x1C060] =	vst v1  }
0x23: {  	[tilespmem:$0x1C0E0] =	vst v0  }
0x24: {  	[tilespmem:$0x1C070] =	vst v1  }
0x25: {  	s0 =	simm.s32 $0x0;
	[tilespmem:$0x1C0F0] =	vst v0  }
.LBB2_4:
0x26: {  	[spmem:s10] =	stream.linear.scatter [tilespmem:s23], [sflag:$0x1], $0x2000, $0x38;
	[tilespmem:$0x1E100] =	vst v63  }
0x27: {  	_ =	swait.ge [sflag:s24], $0x2000  }
0x28: {  	[sflag:s24] =	ssyncset.done $0x0  }
0x29: {  	[sflag:s24] =	ssyncadd.s32 $0xFFFFE000  }
0x2a: {  	[spmem:s12] =	stream.linear.scatter [tilespmem:s23], [sflag:$0x1], $0x2000, $0x38;
	[tilespmem:$0x1E100] =	vst v63  }
0x2b: {  	_ =	swait.ge [sflag:s24], $0x2000  }
0x2c: {  	[sflag:s24] =	ssyncset.done $0x0  }
0x2d: {  	[sflag:s24] =	ssyncadd.s32 $0xFFFFE000  }
0x2e: {  	[spmem:s13] =	stream.linear.scatter [tilespmem:s23], [sflag:$0x1], $0x2000, $0x38;
	[tilespmem:$0x1E100] =	vst v63  }
0x2f: {  	_ =	swait.ge [sflag:s24], $0x2000  }
0x30: {  	[sflag:s24] =	ssyncset.done $0x0  }
0x31: {  	[sflag:s24] =	ssyncadd.s32 $0xFFFFE000  }
0x32: {  	[spmem:s14] =	stream.linear.scatter [tilespmem:s23], [sflag:$0x1], $0x2000, $0x38;
	[tilespmem:$0x1E100] =	vst v63  }
0x33: {  	_ =	swait.ge [sflag:s24], $0x2000  }
0x34: {  	[sflag:s24] =	ssyncset.done $0x0  }
0x35: {  	[sflag:s24] =	ssyncadd.s32 $0xFFFFE000  }
0x36: {  	[spmem:s15] =	stream.linear.scatter [tilespmem:s23], [sflag:$0x1], $0x2000, $0x38;
	[tilespmem:$0x1E100] =	vst v63  }
0x37: {  	_ =	swait.ge [sflag:s24], $0x2000  }
0x38: {  	[sflag:s24] =	ssyncset.done $0x0  }
0x39: {  	[sflag:s24] =	ssyncadd.s32 $0xFFFFE000  }
0x3a: {  	[spmem:s16] =	stream.linear.scatter [tilespmem:s23], [sflag:$0x1], $0x2000, $0x38;
	[tilespmem:$0x1E100] =	vst v63  }
0x3b: {  	_ =	swait.ge [sflag:s24], $0x2000  }
0x3c: {  	[sflag:s24] =	ssyncset.done $0x0  }
0x3d: {  	[sflag:s24] =	ssyncadd.s32 $0xFFFFE000  }
0x3e: {  	[spmem:s17] =	stream.linear.scatter [tilespmem:s23], [sflag:$0x1], $0x2000, $0x38;
	[tilespmem:$0x1E100] =	vst v63  }
0x3f: {  	_ =	swait.ge [sflag:s24], $0x2000  }
0x40: {  	[sflag:s24] =	ssyncset.done $0x0  }
0x41: {  	[sflag:s24] =	ssyncadd.s32 $0xFFFFE000  }
0x42: {  	[spmem:s18] =	stream.linear.scatter [tilespmem:s23], [sflag:$0x1], $0x2000, $0x38;
	[tilespmem:$0x1E100] =	vst v63  }
0x43: {  	_ =	swait.ge [sflag:s24], $0x2000  }
0x44: {  	[sflag:s24] =	ssyncset.done $0x0  }
0x45: {  	[sflag:s24] =	ssyncadd.s32 $0xFFFFE000  }
0x46: {  	[spmem:s19] =	stream.linear.scatter [tilespmem:s23], [sflag:$0x1], $0x2000, $0x38;
	[tilespmem:$0x1E100] =	vst v63  }
0x47: {  	_ =	swait.ge [sflag:s24], $0x2000  }
0x48: {  	[sflag:s24] =	ssyncset.done $0x0  }
0x49: {  	[sflag:s24] =	ssyncadd.s32 $0xFFFFE000  }
0x4a: {  	[spmem:s20] =	stream.linear.scatter [tilespmem:s23], [sflag:$0x1], $0x2000, $0x38;
	[tilespmem:$0x1E100] =	vst v63  }
0x4b: {  	_ =	swait.ge [sflag:s24], $0x2000  }
0x4c: {  	[sflag:s24] =	ssyncset.done $0x0  }
0x4d: {  	[sflag:s24] =	ssyncadd.s32 $0xFFFFE000  }
0x4e: {  	[spmem:s21] =	stream.linear.scatter [tilespmem:s23], [sflag:$0x1], $0x2000, $0x38;
	[tilespmem:$0x1E100] =	vst v63  }
0x4f: {  	_ =	swait.ge [sflag:s24], $0x2000  }
0x50: {  	[sflag:s24] =	ssyncset.done $0x0  }
0x51: {  	[sflag:s24] =	ssyncadd.s32 $0xFFFFE000  }
0x52: {  	[spmem:s22] =	stream.linear.scatter [tilespmem:s23], [sflag:$0x1], $0x2000, $0x38;
	[tilespmem:$0x1E100] =	vst v63  }
0x53: {  	_ =	swait.ge [sflag:s24], $0x2000  }
0x54: {  	s3 =	sshll.u32 s0, $0x1;
	s4 =	rddreg [dreg:$0x6]  }
0x55: {  	s3 =	sor.u32 s4, s3  }
0x56: {  	[sflag:s24] =	ssyncset.done $0x0;
	s11 =	smul.u32 $0x180000, s3  }
0x57: {  	[sflag:s24] =	ssyncadd.s32 $0xFFFFE000  }
0x58: {  	v4 =	vimm.s32 $0x0;
	s6 =	simm.s32 $0x0;
	[bflag:$0x0] =	sbarrier.arrive $0xFFFF;
	v3 =	vmov s11  }
.LBB2_5:
0x59: {  	s3 =	sshll.u32 s6, $0xD  }
0x5a: {  	s3 =	sadd.s32 s9, s3  }
0x5b: {  	s3 =	sshrl.u32 s3, $0x3  }
0x5c: {  	s31 =	simm.s32 $0x0;
	s4 =	sadd.s32 s2, s3  }
0x5d: {  	[tilespmem:s26], [sflag:$0x1] =	stream.linear.gather [hbm4b:s4+s31], $0x2000, $0x38;
	[tilespmem:$0x1E100] =	vst v63  }
0x5e: {  	_ =	swait.ge [sflag:s24], $0x2000  }
0x5f: {  	[sflag:s24] =	ssyncset.done $0x0  }
0x60: {  	s3 =	sadd.s32 s1, s3;
	[sflag:s24] =	ssyncadd.s32 $0xFFFFE000  }
0x61: {  	[tilespmem:s28], [sflag:$0x1] =	stream.linear.gather [hbm4b:s3+s31], $0x2000, $0x38;
	[tilespmem:$0x1E100] =	vst v63  }
0x62: {  	_ =	swait.ge [sflag:s24], $0x2000  }
0x63: {  	[sflag:s24] =	ssyncset.done $0x0  }
0x64: {  	s7 =	simm.s32 $0x0;
	[sflag:s24] =	ssyncadd.s32 $0xFFFFE000  }
0x65: {  	v5 =	vld [tilespmem:s7+$0x18000]  }
0x66: {  	v6 =	vld [tilespmem:s7+$0x18010]  }
0x67: {  	v7 =	vld [tilespmem:s7+$0x18020]  }
0x68: {  	v8 =	vld [tilespmem:s7+$0x18030];
	_ =	sdelay $0x1  }
0x69: {  	v5 =	vsub.s32 v5, v3  }
0x6a: {  	v6 =	vsub.s32 v6, v3;
	vm0 =	vlt.u32 v5, $0x180000  }
0x6b: {  	v7 =	vsub.s32 v7, v3;
	vm1 =	vlt.u32 v6, $0x180000;
	v9 =	vsel vm0, $0x1, v1  }
0x6c: {  	v8 =	vsub.s32 v8, v3;
	vm2 =	vlt.u32 v7, $0x180000;
	v10 =	vsel vm1, $0x1, v1;
	(xrf0) =	vadd.scan.msk.s32 $0xffff, v9  }
0x6d: {  	vm3 =	vlt.u32 v8, $0x180000;
	v11 =	vsel vm2, $0x1, v1;
	(xrf0) =	vadd.scan.msk.s32 $0xffff, v10  }
0x6e: {  	v12 =	vsel vm3, $0x1, v1;
	(xrf0) =	vadd.scan.msk.s32 $0xffff, v11  }
0x6f: {  	(xrf0) =	vadd.scan.msk.s32 $0xffff, v12;
	_ =	sdelay $0x2  }
0x70: {  	v13, _, _ =	vpop (xrf0)  }
0x71: {  	v14 =	vperm.xlane v13, v2;
	v15, _, _ =	vpop (xrf0)  }
0x72: {  	v16 =	vperm.xlane v15, v2;
	v17, _, _ =	vpop (xrf0)  }
0x73: {  	v14 =	vadd.s32 v4, v14;
	v18 =	vperm.xlane v17, v2;
	v19, _, _ =	vpop (xrf0)  }
0x74: {  	v16 =	vadd.s32 v14, v16;
	v20 =	vperm.xlane v19, v2  }
0x75: {  	v18 =	vadd.s32 v16, v18  }
0x76: {  	v20 =	vadd.s32 v18, v20  }
0x77: {  	vm4 =	vgt.s32 v20, $0x3F  }
0x78: {  	v21 =	vsel vm4, $0x3F800000, v0  }
0x79: {  	(xrf0) =	vmax.scan.msk.f32 $0xffff, v21;
	_ =	sdelay $0x5  }
0x7a: {  	v21, _, _ =	vpop (xrf0)  }
0x7b: {  	(v2sf) =	vpush v21, $0xF;
	_ =	sdelay $0x4  }
0x7c: {  	v9 =	vsub.s32 v13, v9  }
0x7d: {  	v4 =	vadd.s32 v4, v9  }
0x7e: {  	v60 =	vld [tilespmem:s7+$0x1A000];
	v59 =	vsub.s32 v15, v10  }
0x7f: {  	v9 =	vadd.s32 v59, v14  }
0x80: {  	v62 =	vld [tilespmem:s7+$0x1A010];
	v11 =	vsub.s32 v17, v11  }
0x81: {  	v61 =	vld [tilespmem:s7+$0x1A020];
	v11 =	vadd.s32 v11, v16  }
0x82: {  	v63 =	vld [tilespmem:s7+$0x1A030];
	v12 =	vsub.s32 v19, v12;
	[tilespmem:v4+s29+$0x0] =	vst.idx.msk vm0, v5  }
0x83: {  	[tilespmem:v4+s30+$0x0] =	vst.idx.msk vm0, v60;
	v4 =	vadd.s32 v12, v18  }
0x84: {  	[tilespmem:v9+s29+$0x0] =	vst.idx.msk vm1, v6  }
0x85: {  	[tilespmem:v9+s30+$0x0] =	vst.idx.msk vm1, v62  }
0x86: {  	[tilespmem:v11+s29+$0x0] =	vst.idx.msk vm2, v7;
	s31 =	spop (v2sf)  }
0x87: {  	[tilespmem:v11+s30+$0x0] =	vst.idx.msk vm2, v61;
	p1 =	sgt.f32 s31, $0.0e+00  }
0x88: {  	[tilespmem:v4+s29+$0x0] =	vst.idx.msk vm3, v8  }
0x89: {  	[tilespmem:v4+s30+$0x0] =	vst.idx.msk vm3, v63;
	s3 =	simm.s32 @p1 $0x80;
	s4 =	simm.s32 @p1 $0x1C000;
	s31 =	simm.s32 @p1 $0x1C080  }
0x8a: {  	[spmem:s5] =	stream.indirect.scatter.add.f32 @p1 [tilespmem:s31], [sflag:$0x1], $0x1, s4, s3, $0xb8;
	[tilespmem:$0x1E100] =	vst v63  }
0x8b: {  	s4 =	simm.s32 @p1 $0x1  }
0x8c: {  	_ =	swait.ge @p1 [sflag:s4], $0x80  }
0x8d: {  	v4 =	vpsel p1, $0x0, v20;
	v5 =	vimm.f32 @p1 $0.0e+00;
	s3 =	simm.s32 $0x100;
	[sflag:s4] =	ssyncset.done @p1 $0x0  }
.LBB2_6:
0x8e: {  	[sflag:s4] =	ssyncadd.s32 @p1 $0xFFFFFF80;
	s4 =	smov.u32 s3;
	s3 =	sadd.s32 $0x100, s3  }
0x8f: {  	p0 =	sne.s32 s3, $0x8000;
	[tilespmem:$0x1C080] =	vst @p1 v5  }
0x90: {  	[tilespmem:$0x1C0F0] =	vst @p1 v5  }
0x91: {  	[tilespmem:$0x1C0E0] =	vst @p1 v5  }
0x92: {  	[tilespmem:$0x1C0D0] =	vst @p1 v5  }
0x93: {  	[tilespmem:$0x1C0C0] =	vst @p1 v5  }
0x94: {  	[tilespmem:$0x1C0B0] =	vst @p1 v5  }
0x95: {  	[tilespmem:$0x1C0A0] =	vst @p1 v5  }
0x96: {  	s4 =	sshra.s32 s4, $0x2;
	[tilespmem:$0x1C090] =	vst @p1 v5  }
0x97: {  	v5 =	vld [tilespmem:s4+$0x18000]  }
0x98: {  	v6 =	vld [tilespmem:s4+$0x18010]  }
0x99: {  	v7 =	vld [tilespmem:s4+$0x18020]  }
0x9a: {  	v8 =	vld [tilespmem:s4+$0x18030];
	_ =	sdelay $0x1  }
0x9b: {  	v5 =	vsub.s32 v5, v3  }
0x9c: {  	vm3 =	vlt.u32 v5, $0x180000;
	v6 =	vsub.s32 v6, v3  }
0x9d: {  	v9 =	vsel vm3, $0x1, v1;
	vm0 =	vlt.u32 v6, $0x180000;
	v7 =	vsub.s32 v7, v3  }
0x9e: {  	v10 =	vsel vm0, $0x1, v1;
	vm1 =	vlt.u32 v7, $0x180000;
	v8 =	vsub.s32 v8, v3;
	(xrf0) =	vadd.scan.msk.s32 $0xffff, v9  }
0x9f: {  	v11 =	vsel vm1, $0x1, v1;
	vm2 =	vlt.u32 v8, $0x180000;
	(xrf0) =	vadd.scan.msk.s32 $0xffff, v10  }
0xa0: {  	v12 =	vsel vm2, $0x1, v1;
	(xrf0) =	vadd.scan.msk.s32 $0xffff, v11  }
0xa1: {  	(xrf0) =	vadd.scan.msk.s32 $0xffff, v12;
	_ =	sdelay $0x2  }
0xa2: {  	v13, _, _ =	vpop (xrf0)  }
0xa3: {  	v9 =	vsub.s32 v13, v9;
	v13 =	vperm.xlane v13, v2;
	v14, _, _ =	vpop (xrf0)  }
0xa4: {  	v9 =	vadd.s32 v4, v9;
	v10 =	vsub.s32 v14, v10;
	v14 =	vperm.xlane v14, v2;
	v15, _, _ =	vpop (xrf0)  }
0xa5: {  	v16 =	vld [tilespmem:s4+$0x1A000];
	v4 =	vadd.s32 v4, v13;
	v11 =	vsub.s32 v15, v11;
	v13 =	vperm.xlane v15, v2;
	v15, _, _ =	vpop (xrf0)  }
0xa6: {  	v17 =	vld [tilespmem:s4+$0x1A020];
	v10 =	vadd.s32 v10, v4;
	v4 =	vadd.s32 v4, v14;
	v14 =	vperm.xlane v15, v2  }
0xa7: {  	v12 =	vsub.s32 v15, v12;
	v18 =	vld [tilespmem:s4+$0x1A010];
	v13 =	vadd.s32 v4, v13  }
0xa8: {  	v4 =	vadd.s32 v11, v4;
	v15 =	vld [tilespmem:s4+$0x1A030];
	v11 =	vadd.s32 v13, v14  }
0xa9: {  	[tilespmem:v9+s29+$0x0] =	vst.idx.msk vm3, v5;
	vm4 =	vgt.s32 v11, $0x3F  }
0xaa: {  	v5 =	vadd.s32 v12, v13;
	[tilespmem:v9+s30+$0x0] =	vst.idx.msk vm3, v16;
	v9 =	vsel vm4, $0x3F800000, v0  }
0xab: {  	[tilespmem:v10+s29+$0x0] =	vst.idx.msk vm0, v6;
	(xrf0) =	vmax.scan.msk.f32 $0xffff, v9  }
0xac: {  	[tilespmem:v10+s30+$0x0] =	vst.idx.msk vm0, v18  }
0xad: {  	[tilespmem:v4+s29+$0x0] =	vst.idx.msk vm1, v7  }
0xae: {  	[tilespmem:v4+s30+$0x0] =	vst.idx.msk vm1, v17  }
0xaf: {  	[tilespmem:v5+s29+$0x0] =	vst.idx.msk vm2, v8  }
0xb0: {  	[tilespmem:v5+s30+$0x0] =	vst.idx.msk vm2, v15  }
0xb1: {  	v4, _, _ =	vpop (xrf0)  }
0xb2: {  	(v2sf) =	vpush v4, $0xF;
	_ =	sdelay $0xe  }
0xb3: {  	s4 =	spop (v2sf)  }
0xb4: {  	p1 =	sgt.f32 s4, $0.0e+00;
	_ =	sdelay $0x1  }
0xb5: {  	s4 =	simm.s32 @p1 $0x80  }
.Ltmp1:
0xb6: {  	v4 =	vpsel p1, $0x0, v11;
	s31 =	simm.s32 @p1 $0x1C000;
	s7 =	simm.s32 @p1 $0x1C080;
	v5 =	vimm.f32 @p1 $0.0e+00;
	(pc) =	sbr.rel @p0 .LBB2_6-.Ltmp1, $4  }
0xb7: {  	[spmem:s5] =	stream.indirect.scatter.add.f32 @p1 [tilespmem:s7], [sflag:$0x1], $0x1, s31, s4, $0xb8;
	[tilespmem:$0x1E100] =	vst v63  }
0xb8: {  	s4 =	simm.s32 @p1 $0x1  }
0xb9: {  	_ =	swait.ge @p1 [sflag:s4], $0x80  }
0xba: {  	[sflag:s4] =	ssyncset.done @p1 $0x0  }
0xbb: {  	[sflag:s4] =	ssyncadd.s32 @p1 $0xFFFFFF80  }
0xbc: {  	[tilespmem:$0x1C080] =	vst @p1 v5  }
0xbd: {  	s6 =	sadd.s32 $0x1, s6;
	[tilespmem:$0x1C0F0] =	vst @p1 v5  }
0xbe: {  	[tilespmem:$0x1C0E0] =	vst @p1 v5;
	p0 =	sne.s32 s6, $0x60  }
.Ltmp2:
0xbf: {  	[tilespmem:$0x1C0D0] =	vst @p1 v5;
	(pc) =	sbr.rel @p0 .LBB2_5-.Ltmp2, $4  }
0xc0: {  	[tilespmem:$0x1C0C0] =	vst @p1 v5  }
0xc1: {  	[tilespmem:$0x1C0B0] =	vst @p1 v5  }
0xc2: {  	[tilespmem:$0x1C0A0] =	vst @p1 v5  }
0xc3: {  	[tilespmem:$0x1C090] =	vst @p1 v5  }
0xc4: {  	s3 =	simm.s32 $0x80  }
0xc5: {  	[spmem:s5] =	stream.indirect.scatter.add.f32 [tilespmem:s30], [sflag:$0x1], $0x1, s29, s3, $0xb8;
	[tilespmem:$0x1E100] =	vst v63  }
0xc6: {  	_ =	swait.ge [sflag:s24], $0x80  }
0xc7: {  	[sflag:s24] =	ssyncset.done $0x0  }
0xc8: {  	[sflag:s24] =	ssyncadd.s32 $0xFFFFFF80  }
0xc9: {  	[tilespmem:$0x1C080] =	vst v0  }
0xca: {  	[tilespmem:$0x1C090] =	vst v0  }
0xcb: {  	[tilespmem:$0x1C0A0] =	vst v0  }
0xcc: {  	[tilespmem:$0x1C0B0] =	vst v0  }
0xcd: {  	[tilespmem:$0x1C0C0] =	vst v0  }
0xce: {  	[tilespmem:$0x1C0D0] =	vst v0  }
0xcf: {  	[tilespmem:$0x1C0E0] =	vst v0  }
0xd0: {  	s31 =	sadd.s32 s8, s11;
	[tilespmem:$0x1C0F0] =	vst v0  }
0xd1: {  	s4 =	stileid.u32;
	s0 =	sadd.s32 $0x1, s0;
	[bflag:$0x0] =	sbarrier.arrive $0xFFFF  }
0xd2: {  	s3 =	sshrl.u32 s31, $0x3;
	s4 =	sshll.u32 s4, $0x6;
	s6 =	rddreg [dreg:$0x2]  }
0xd3: {  	p0 =	sne.s32 s0, $0x10;
	s4 =	sor.u32 $0x1C01, s4;
	s3 =	sadd.s32 s6, s3  }
0xd4: {  	[hbm:s3], [sflag:s4] =	dma.local [spmem:s25], $0x3000  }
.Ltmp3:
0xd5: {  	_ =	swait.ge [sflag:s24], $0x3000;
	(pc) =	sbr.rel @p0 .LBB2_4-.Ltmp3, $3  }
0xd6: {  	[sflag:s24] =	ssyncset.done $0x0  }
0xd7: {  	[sflag:s24] =	ssyncadd.s32 $0xFFFFD000  }
0xd8: {  	[bflag:$0x0] =	sbarrier.arrive $0xFFFF;
	_ =	sdelay $0x1  }
0xd9: {  	s7 =	rddreg [dreg:$0x5]  }
0xda: {  	s0 =	rddreg [dreg:$0x7];
	s7 =	sadd.s32 $0x1, s7  }
0xdb: {  	p0 =	sne.s32 s7, s0  }
.Ltmp4:
0xdc: {  	_ = 	snop;
	(pc) =	sbr.rel @p0 .LBB2_1-.Ltmp4, $1  }
0xdd: {  	_ =	sdelay $0x3  }
0xde: {  	_ =	sfence.sel $0x180000  }
0xdf: {  	[bflag:$0x0] =	sbarrier.arrive $0xFFFF  }
0xe0: {  	_ =	strace $0x90000047  }
0xe1: {  	s0 =	stileid.u32;
	[bflag:$0x2] =	sbarrier.arrive $0xFFFF  }
0xe2: {  	p0 =	sne.s32 s0, $0x0;
	s0 =	rddreg [dreg:$0x4]  }
0xe3: {  	s0 =	sadd.s32 @!p0 $0x100000, s0  }
0xe4: {  	[sflag:s0] =	ssyncadd.tile.s32 @!p0 $0x1;
	_ =	shalt  }
.Lfunc_end2:
_tile_overlayer_lowered:
.L_overlay_start_2:
0xe5: {  	(tag) =	ssettag $0x2  }
0xe6: {  	s0 =	rddreg [dreg:$0x0];
	s2 =	stileid.u32  }
0xe7: {  	s1 =	rddreg [dreg:$0x1];
	p0 =	sne.s32 s2, $0x0  }
0xe8: {  	s3 =	rddreg [dreg:$0x2];
	[bflag:$0x3] =	sbarrier.arrive $0xFFFF;
	s2 =	simm.s32 @!p0 $0x1C01  }
0xe9: {  	[timem:s3], [sflag:s2] =	dma.local @!p0 [hbm:s0], s1  }
0xea: {  	s0 =	simm.s32 @!p0 $0x1  }
0xeb: {  	_ =	swait.ge @!p0 [sflag:s0], s1  }
0xec: {  	s1 =	ssub.s32 @!p0 $0x0, s1;
	[sflag:s0] =	ssyncset.done @!p0 $0x0  }
0xed: {  	[sflag:s0] =	ssyncadd.s32 @!p0 s1  }
0xee: {  	[bflag:$0x3] =	sbarrier.arrive $0xFFFF  }
0xef: {  	_ =	shalt  }

</sc_bundles>
